<compile_context>
chip_gen: v7x
topology: tpu7x:2x2x1
jax: 0.10.2.dev20260603
libtpu: 0.0.44.dev20260713+nightly
codegen_flags: <defaults>
</compile_context>

<pallas_src>
import functools

import jax
import jax.numpy as jnp
from jax.experimental import pallas as pl
from jax.experimental.pallas import tpu as pltpu
from jax.experimental.pallas import tpu_sc as plsc

B = 512
D_Q = 1024
D_Z = 512
D_RIN = 256
D_PHI = 128
D_R = 9
M = 512
P = 256
NPROG = 8192
LAM = 0.1
H = 96

TB = 256
TPROG = 2048
NBT = B // TB
NPT = NPROG // TPROG


def _sc_gather_rows(table, idx_flat):
    info = plsc.get_sparse_core_info()
    nc, ns = info.num_cores, info.num_subcores
    nw = nc * ns
    n = idx_flat.shape[0]
    d = table.shape[1]
    b_per_w = n // nw
    mesh = plsc.VectorSubcoreMesh(core_axis_name="c", subcore_axis_name="s")

    @functools.partial(
        pl.kernel, mesh=mesh,
        out_type=jax.ShapeDtypeStruct((n, d), jnp.float32),
        scratch_types=[
            pltpu.VMEM((b_per_w,), jnp.int32),
            pltpu.VMEM((b_per_w, d), jnp.float32),
            pltpu.SemaphoreType.DMA,
        ],
    )
    def gather_kernel(table_hbm, idx_hbm, out_hbm, idx_v, rows_v, sem):
        wid = jax.lax.axis_index("s") * nc + jax.lax.axis_index("c")
        base = wid * b_per_w
        pltpu.sync_copy(idx_hbm.at[pl.ds(base, b_per_w)], idx_v)
        pltpu.async_copy(table_hbm.at[idx_v], rows_v, sem).wait()
        pltpu.sync_copy(rows_v, out_hbm.at[pl.ds(base, b_per_w)])

    return gather_kernel(table, idx_flat)


def _gelu_erf(x):
    halfx = x * jnp.asarray(0.5, x.dtype)
    return halfx * jax.lax.erf(x * jnp.asarray(0.7071067811865476, x.dtype)) + halfx


def _dotnn(a, b):
    return jax.lax.dot_general(a, b, (((1,), (0,)), ((), ())),
                               preferred_element_type=jnp.float32)


def _dotnt(a, b):
    return jax.lax.dot_general(a, b, (((1,), (1,)), ((), ())),
                               preferred_element_type=jnp.float32)


def _fused_kernel(q_ref, r_ref, rp_ref, relf_ref,
                  Wq1_ref, bq1_ref, Wq2_ref, bq2_ref,
                  We_ref, be_ref, Wu_ref,
                  W1z_ref, W1s_ref, W1a_ref, W1m_ref, W1r_ref, b1_ref,
                  W2_ref, b2_ref, W3_ref, b3_ref,
                  A_ref, Bp_ref, len_ref,
                  out_ref, u_s, v_s):
    step = pl.program_id(0)
    bf = jnp.bfloat16

    @pl.when(step < NBT)
    def _stage1():
        qg = jax.nn.gelu(_dotnn(q_ref[...], Wq1_ref[...]) + bq1_ref[...])
        g = _dotnn(qg, Wq2_ref[...]) + bq2_ref[...]

        phi = _dotnn(r_ref[...], We_ref[...]) + be_ref[...]
        row = pl.ds(step * TB, TB)
        u_s[row, :] = _dotnt(_dotnn(g, Wu_ref[...]), phi)

        phi_i = _dotnn(rp_ref[0:P, :], We_ref[...]) + be_ref[...]
        phi_j = _dotnn(rp_ref[P:2 * P, :], We_ref[...]) + be_ref[...]
        sym_sum = phi_i + phi_j
        sym_abs = jnp.abs(phi_i - phi_j)
        sym_prod = phi_i * phi_j

        az = _dotnn(g, W1z_ref[...]) + b1_ref[...]
        ap = (_dotnn(sym_sum, W1s_ref[...]) + _dotnn(sym_abs, W1a_ref[...])
              + _dotnn(sym_prod, W1m_ref[...]) + _dotnn(relf_ref[...], W1r_ref[...]))

        az_bf = az.astype(bf)
        ap_bf = ap.astype(bf)
        h1 = _gelu_erf(az_bf[:, None, :] + ap_bf[None, :, :])
        h1 = h1.reshape(TB * P, H)
        h2pre = _dotnn(h1, W2_ref[...].astype(bf)) + b2_ref[...]
        h2 = _gelu_erf(h2pre.astype(bf))
        v = _dotnn(h2, W3_ref[...].astype(bf)) + b3_ref[...]
        v_s[row, :] = v.reshape(TB, P)

    @pl.when(step >= NBT)
    def _stage2():
        s = (_dotnt(u_s[...].astype(bf), A_ref[...].astype(bf))
             + _dotnt(v_s[...].astype(bf), Bp_ref[...].astype(bf)))
        out_ref[...] = s - LAM * len_ref[...]


@jax.jit
def kernel(q, r, A, B_pair, lengths, pair_index, relation_features,
           Wq1, bq1, Wq2, bq2, We, be, Wu, W1, b1, W2, b2, W3, b3):
    f32 = jnp.float32
    W1z = W1[:D_Z]
    W1s = W1[D_Z:D_Z + D_PHI]
    W1a = W1[D_Z + D_PHI:D_Z + 2 * D_PHI]
    W1m = W1[D_Z + 2 * D_PHI:D_Z + 3 * D_PHI]
    W1r = W1[D_Z + 3 * D_PHI:]
    bq1_2 = bq1.reshape(1, -1)
    bq2_2 = bq2.reshape(1, -1)
    be_2 = be.reshape(1, -1)
    b1_2 = b1.reshape(1, -1)
    b2_2 = b2.reshape(1, -1)
    b3_2 = b3.reshape(1, -1)
    idx_flat = jnp.concatenate([pair_index[:, 0], pair_index[:, 1]]).astype(jnp.int32)
    rpairs = _sc_gather_rows(r, idx_flat)
    len_2 = lengths.reshape(1, NPROG)

    rep = lambda shape: pl.BlockSpec(shape, lambda s: (0,) * len(shape))
    qmap = lambda s: (jnp.minimum(s, NBT - 1), 0)
    pmap = lambda s: (jnp.maximum(s - NBT, 0), 0)
    cmap = lambda s: (0, jnp.maximum(s - NBT, 0))
    scores = pl.pallas_call(
        _fused_kernel,
        grid=(NBT + NPT,),
        in_specs=[
            pl.BlockSpec((TB, D_Q), qmap),
            rep((M, D_RIN)),
            rep((2 * P, D_RIN)),
            rep((P, D_R)),
            rep((D_Q, 512)), rep((1, 512)),
            rep((512, D_Z)), rep((1, D_Z)),
            rep((D_RIN, D_PHI)), rep((1, D_PHI)),
            rep((D_Z, D_PHI)),
            rep((D_Z, H)), rep((D_PHI, H)), rep((D_PHI, H)), rep((D_PHI, H)),
            rep((D_R, H)), rep((1, H)),
            rep((H, H)), rep((1, H)),
            rep((H, 1)), rep((1, 1)),
            pl.BlockSpec((TPROG, M), pmap),
            pl.BlockSpec((TPROG, P), pmap),
            pl.BlockSpec((1, TPROG), cmap),
        ],
        out_specs=pl.BlockSpec((B, TPROG), cmap),
        out_shape=jax.ShapeDtypeStruct((B, NPROG), f32),
        scratch_shapes=[
            pltpu.VMEM((B, M), f32),
            pltpu.VMEM((B, P), f32),
        ],
    )(q, r, rpairs, relation_features,
      Wq1, bq1_2, Wq2, bq2_2, We, be_2, Wu,
      W1z, W1s, W1a, W1m, W1r, b1_2, W2, b2_2, W3, b3_2,
      A, B_pair, len_2)
    return scores

# --- scband reference (transcript-rebuilt; emitter-appended) ---
"""Pipeline reference for scband-compositional-router-60988535603682 (READ-ONLY COPY).

The authoritative reference and input builder live on the scoring server;
editing this copy changes nothing except your own understanding.
"""

import jax, jax.numpy as jnp
import numpy as np

B = 512
D_Q = 1024
D_Z = 512
D_RIN = 256
D_PHI = 128
D_R = 9
M = 512
P = 256
NPROG = 8192
LAM = 0.1


def _init(key, shape, scale):
    return jax.random.normal(key, shape, jnp.float32) * scale


def setup_inputs(seed: int = 0):
    key = jax.random.key(seed)
    ks = jax.random.split(key, 24)
    q = jax.random.normal(ks[0], (B, D_Q), jnp.float32)
    r = jax.random.normal(ks[1], (M, D_RIN), jnp.float32)
    A = jax.random.uniform(ks[2], (NPROG, M), jnp.float32) * 0.1
    B_pair = jax.random.uniform(ks[3], (NPROG, P), jnp.float32) * 0.1
    lengths = jax.random.uniform(ks[4], (NPROG,), jnp.float32) * 8.0
    pi = jax.random.randint(ks[5], (P, 2), 0, M)
    pair_index = jnp.sort(pi, axis=1)
    relation_features = jax.random.uniform(ks[6], (P, D_R), jnp.float32)
    Wq1 = _init(ks[7], (D_Q, 512), (1.0 / D_Q) ** 0.5)
    bq1 = jnp.zeros((512,), jnp.float32)
    Wq2 = _init(ks[8], (512, D_Z), (1.0 / 512) ** 0.5)
    bq2 = jnp.zeros((D_Z,), jnp.float32)
    We = _init(ks[9], (D_RIN, D_PHI), (1.0 / D_RIN) ** 0.5)
    be = jnp.zeros((D_PHI,), jnp.float32)
    Wu = _init(ks[10], (D_Z, D_PHI), (1.0 / D_Z) ** 0.5)
    in_pair = D_Z + 3 * D_PHI + D_R
    W1 = _init(ks[11], (in_pair, 96), (1.0 / in_pair) ** 0.5)
    b1 = jnp.zeros((96,), jnp.float32)
    W2 = _init(ks[12], (96, 96), (1.0 / 96) ** 0.5)
    b2 = jnp.zeros((96,), jnp.float32)
    W3 = _init(ks[13], (96, 1), 0.01)
    b3 = jnp.zeros((1,), jnp.float32)
    return dict(q=q, r=r, A=A, B_pair=B_pair, lengths=lengths, pair_index=pair_index,
                relation_features=relation_features, Wq1=Wq1, bq1=bq1, Wq2=Wq2, bq2=bq2,
                We=We, be=be, Wu=Wu, W1=W1, b1=b1, W2=W2, b2=b2, W3=W3, b3=b3)


def reference(q, r, A, B_pair, lengths, pair_index, relation_features,
              Wq1, bq1, Wq2, bq2, We, be, Wu, W1, b1, W2, b2, W3, b3):
    # QuestionEncoder: g_q = MLP(q)
    g = jax.nn.gelu(q @ Wq1 + bq1) @ Wq2 + bq2
    # PrimitiveEditEncoder: phi = g_psi(r)
    phi = r @ We + be
    # UnaryScorer (bilinear): u_q[b, m] = g_b^T Wu phi_m
    u = (g @ Wu) @ phi.T
    # PairwiseScorer: symmetric combinations + relation features + question encoding
    i = pair_index[:, 0]
    j = pair_index[:, 1]
    phi_i = jnp.take(phi, i, axis=0)
    phi_j = jnp.take(phi, j, axis=0)
    sym_sum = phi_i + phi_j
    sym_abs = jnp.abs(phi_i - phi_j)
    sym_prod = phi_i * phi_j
    pair_feats = jnp.concatenate([sym_sum, sym_abs, sym_prod, relation_features.astype(g.dtype)], axis=-1)
    Bq = g.shape[0]
    Pn = pair_index.shape[0]
    z_expanded = jnp.broadcast_to(g[:, None, :], (Bq, Pn, g.shape[-1]))
    pair_expanded = jnp.broadcast_to(pair_feats[None, :, :], (Bq, Pn, pair_feats.shape[-1]))
    x = jnp.concatenate([z_expanded, pair_expanded], axis=-1)
    h = jax.nn.gelu(x @ W1 + b1)
    h = jax.nn.gelu(h @ W2 + b2)
    v = (h @ W3 + b3)[..., 0]
    # program_scores_with_pairs: S_q = A u_q + B v_q - lam * lengths
    scores = u @ A.T + v @ B_pair.T - LAM * lengths[None, :]
    return scores

if __name__ == "__main__":
    import jax
    _d = setup_inputs()
    print(jax.jit(kernel)(*tuple(_d.values())))

</pallas_src>

<mosaic_0001>
#map = affine_map<(d0, d1) -> (0, 0)>
#map1 = affine_map<(d0, d1) -> (0)>
module attributes {stable_mosaic.version = 14 : i64} {
  func.func @gather_kernel(%arg0: i32, %arg1: i32, %arg2: memref<512x256xf32, #tpu.memory_space<hbm>>, %arg3: memref<512xi32, #tpu.memory_space<hbm>>, %arg4: memref<512x256xf32, #tpu.memory_space<hbm>>, %arg5: memref<16xi32, #tpu.memory_space<vmem>>, %arg6: memref<16x256xf32, #tpu.memory_space<vmem>>, %arg7: memref<!tpu.dma_semaphore, #tpu.memory_space<semaphore_mem>>) attributes {dimension_semantics = [#tpu.dimension_semantics<core_parallel>, #tpu.dimension_semantics<subcore_parallel>], iteration_bounds = array<i64: 2, 16>, scalar_prefetch = 0 : i64, scratch_operands = 3 : i64, tpu.core_type = #tpu.core_type<sc_vector_subcore>, window_params = [{transform_indices = #map}, {transform_indices = #map1}, {transform_indices = #map}]} {
    %mul3A = arith.constant 2 : i32
    %mul3A_0 = arith.muli %arg1, %mul3A : i32
    %add3A = arith.addi %mul3A_0, %arg0 : i32
    %mul3A_1 = arith.constant 16 : i32
    %mul3A_2 = arith.muli %add3A, %mul3A_1 : i32
    "tpu.region"() ({
      %run_scoped3A = tpu.sem_alloc : memref<!tpu.dma_semaphore, #tpu.memory_space<semaphore_mem>>
      %dma_start3A_7 = tpu.memref_slice %arg3[%mul3A_2] : memref<512xi32, #tpu.memory_space<hbm>> -> memref<16xi32, #tpu.memory_space<hbm>>
      %dma_start3A_8 = tpu.memref_slice %arg3[%mul3A_2] : memref<512xi32, #tpu.memory_space<hbm>> -> memref<16xi32, #tpu.memory_space<hbm>>
      tpu.enqueue_dma source(%dma_start3A_8 : memref<16xi32, #tpu.memory_space<hbm>>) target(%arg5 : memref<16xi32, #tpu.memory_space<vmem>>) target_semaphore(%run_scoped3A : memref<!tpu.dma_semaphore, #tpu.memory_space<semaphore_mem>>)
      %dma_wait3A_9 = tpu.memref_slice %arg3[%mul3A_2] : memref<512xi32, #tpu.memory_space<hbm>> -> memref<16xi32, #tpu.memory_space<hbm>>
      %dma_wait3A_10 = tpu.memref_slice %arg3[%mul3A_2] : memref<512xi32, #tpu.memory_space<hbm>> -> memref<16xi32, #tpu.memory_space<hbm>>
      tpu.wait_dma2 semaphore(%run_scoped3A : memref<!tpu.dma_semaphore, #tpu.memory_space<semaphore_mem>>) src(%dma_wait3A_10 : memref<16xi32, #tpu.memory_space<hbm>>) dst(%arg5 : memref<16xi32, #tpu.memory_space<vmem>>)
      tpu.yield
    }) : () -> ()
    %dma_start3A = arith.constant 0 : i32
    %dma_start3A_3 = arith.constant 0 : i32
    %dma_start3A_4 = tpu.memref_slice %arg2[%dma_start3A, %dma_start3A_3] : memref<512x256xf32, #tpu.memory_space<hbm>> -> memref<512x256xf32, #tpu.memory_space<hbm>>
    tpu.enqueue_indirect_dma source(%dma_start3A_4 : memref<512x256xf32, #tpu.memory_space<hbm>>) target(%arg6 : memref<16x256xf32, #tpu.memory_space<vmem>>) offsets(%arg5 : memref<16xi32, #tpu.memory_space<vmem>>) semaphore(%arg7 : memref<!tpu.dma_semaphore, #tpu.memory_space<semaphore_mem>>)
    %dma_wait3A = arith.constant 0 : i32
    %dma_wait3A_5 = arith.constant 0 : i32
    %dma_wait3A_6 = tpu.memref_slice %arg2[%dma_wait3A, %dma_wait3A_5] : memref<512x256xf32, #tpu.memory_space<hbm>> -> memref<512x256xf32, #tpu.memory_space<hbm>>
    tpu.wait_indirect_dma semaphore(%arg7 : memref<!tpu.dma_semaphore, #tpu.memory_space<semaphore_mem>>) src(%dma_wait3A_6 : memref<512x256xf32, #tpu.memory_space<hbm>>) dst(%arg6 : memref<16x256xf32, #tpu.memory_space<vmem>>)
    "tpu.region"() ({
      %run_scoped3A = tpu.sem_alloc : memref<!tpu.dma_semaphore, #tpu.memory_space<semaphore_mem>>
      %dma_start3A_7 = arith.constant 0 : i32
      %dma_start3A_8 = tpu.memref_slice %arg4[%mul3A_2, %dma_start3A_7] : memref<512x256xf32, #tpu.memory_space<hbm>> -> memref<16x256xf32, #tpu.memory_space<hbm>>
      %dma_start3A_9 = arith.constant 0 : i32
      %dma_start3A_10 = tpu.memref_slice %arg4[%mul3A_2, %dma_start3A_9] : memref<512x256xf32, #tpu.memory_space<hbm>> -> memref<16x256xf32, #tpu.memory_space<hbm>>
      tpu.enqueue_dma source(%arg6 : memref<16x256xf32, #tpu.memory_space<vmem>>) target(%dma_start3A_10 : memref<16x256xf32, #tpu.memory_space<hbm>>) target_semaphore(%run_scoped3A : memref<!tpu.dma_semaphore, #tpu.memory_space<semaphore_mem>>)
      %dma_wait3A_11 = arith.constant 0 : i32
      %dma_wait3A_12 = tpu.memref_slice %arg4[%mul3A_2, %dma_wait3A_11] : memref<512x256xf32, #tpu.memory_space<hbm>> -> memref<16x256xf32, #tpu.memory_space<hbm>>
      %dma_wait3A_13 = arith.constant 0 : i32
      %dma_wait3A_14 = tpu.memref_slice %arg4[%mul3A_2, %dma_wait3A_13] : memref<512x256xf32, #tpu.memory_space<hbm>> -> memref<16x256xf32, #tpu.memory_space<hbm>>
      tpu.wait_dma2 semaphore(%run_scoped3A : memref<!tpu.dma_semaphore, #tpu.memory_space<semaphore_mem>>) src(%arg6 : memref<16x256xf32, #tpu.memory_space<vmem>>) dst(%dma_wait3A_14 : memref<16x256xf32, #tpu.memory_space<hbm>>)
      tpu.yield
    }) : () -> ()
    return
  }
}

module attributes {stable_mosaic.version = 14 : i64} {
  func.func @_fused_kernel(%arg0: i32, %arg1: memref<256x1024xf32, #tpu.memory_space<vmem>>, %arg2: memref<512x256xf32, #tpu.memory_space<vmem>>, %arg3: memref<512x256xf32, #tpu.memory_space<vmem>>, %arg4: memref<256x9xf32, #tpu.memory_space<vmem>>, %arg5: memref<1024x512xf32, #tpu.memory_space<vmem>>, %arg6: memref<1x512xf32, #tpu.memory_space<vmem>>, %arg7: memref<512x512xf32, #tpu.memory_space<vmem>>, %arg8: memref<1x512xf32, #tpu.memory_space<vmem>>, %arg9: memref<256x128xf32, #tpu.memory_space<vmem>>, %arg10: memref<1x128xf32, #tpu.memory_space<vmem>>, %arg11: memref<512x128xf32, #tpu.memory_space<vmem>>, %arg12: memref<512x96xf32, #tpu.memory_space<vmem>>, %arg13: memref<128x96xf32, #tpu.memory_space<vmem>>, %arg14: memref<128x96xf32, #tpu.memory_space<vmem>>, %arg15: memref<128x96xf32, #tpu.memory_space<vmem>>, %arg16: memref<9x96xf32, #tpu.memory_space<vmem>>, %arg17: memref<1x96xf32, #tpu.memory_space<vmem>>, %arg18: memref<96x96xf32, #tpu.memory_space<vmem>>, %arg19: memref<1x96xf32, #tpu.memory_space<vmem>>, %arg20: memref<96x1xf32, #tpu.memory_space<vmem>>, %arg21: memref<1x1xf32, #tpu.memory_space<vmem>>, %arg22: memref<2048x512xf32, #tpu.memory_space<vmem>>, %arg23: memref<2048x256xf32, #tpu.memory_space<vmem>>, %arg24: memref<1x2048xf32, #tpu.memory_space<vmem>>, %arg25: memref<512x2048xf32, #tpu.memory_space<vmem>>, %arg26: memref<512x512xf32, #tpu.memory_space<vmem>>, %arg27: memref<512x256xf32, #tpu.memory_space<vmem>>) attributes {dimension_semantics = [#tpu.dimension_semantics<arbitrary>], iteration_bounds = array<i64: 6>, scalar_prefetch = 0 : i64, scratch_operands = 2 : i64, tpu.core_type = #tpu.core_type<tc>, window_params = [{transform_indices = @transform_0, window_bounds = array<i64: 256, 1024>}, {pipeline_mode = #tpu.pipeline_mode<synchronous>, transform_indices = @transform_1, window_bounds = array<i64: 512, 256>}, {pipeline_mode = #tpu.pipeline_mode<synchronous>, transform_indices = @transform_2, window_bounds = array<i64: 512, 256>}, {pipeline_mode = #tpu.pipeline_mode<synchronous>, transform_indices = @transform_3, window_bounds = array<i64: 256, 9>}, {pipeline_mode = #tpu.pipeline_mode<synchronous>, transform_indices = @transform_4, window_bounds = array<i64: 1024, 512>}, {pipeline_mode = #tpu.pipeline_mode<synchronous>, transform_indices = @transform_5, window_bounds = array<i64: 1, 512>}, {pipeline_mode = #tpu.pipeline_mode<synchronous>, transform_indices = @transform_6, window_bounds = array<i64: 512, 512>}, {pipeline_mode = #tpu.pipeline_mode<synchronous>, transform_indices = @transform_7, window_bounds = array<i64: 1, 512>}, {pipeline_mode = #tpu.pipeline_mode<synchronous>, transform_indices = @transform_8, window_bounds = array<i64: 256, 128>}, {pipeline_mode = #tpu.pipeline_mode<synchronous>, transform_indices = @transform_9, window_bounds = array<i64: 1, 128>}, {pipeline_mode = #tpu.pipeline_mode<synchronous>, transform_indices = @transform_10, window_bounds = array<i64: 512, 128>}, {pipeline_mode = #tpu.pipeline_mode<synchronous>, transform_indices = @transform_11, window_bounds = array<i64: 512, 96>}, {pipeline_mode = #tpu.pipeline_mode<synchronous>, transform_indices = @transform_12, window_bounds = array<i64: 128, 96>}, {pipeline_mode = #tpu.pipeline_mode<synchronous>, transform_indices = @transform_13, window_bounds = array<i64: 128, 96>}, {pipeline_mode = #tpu.pipeline_mode<synchronous>, transform_indices = @transform_14, window_bounds = array<i64: 128, 96>}, {pipeline_mode = #tpu.pipeline_mode<synchronous>, transform_indices = @transform_15, window_bounds = array<i64: 9, 96>}, {pipeline_mode = #tpu.pipeline_mode<synchronous>, transform_indices = @transform_16, window_bounds = array<i64: 1, 96>}, {pipeline_mode = #tpu.pipeline_mode<synchronous>, transform_indices = @transform_17, window_bounds = array<i64: 96, 96>}, {pipeline_mode = #tpu.pipeline_mode<synchronous>, transform_indices = @transform_18, window_bounds = array<i64: 1, 96>}, {pipeline_mode = #tpu.pipeline_mode<synchronous>, transform_indices = @transform_19, window_bounds = array<i64: 96, 1>}, {pipeline_mode = #tpu.pipeline_mode<synchronous>, transform_indices = @transform_20, window_bounds = array<i64: 1, 1>}, {transform_indices = @transform_21, window_bounds = array<i64: 2048, 512>}, {transform_indices = @transform_22, window_bounds = array<i64: 2048, 256>}, {transform_indices = @transform_23, window_bounds = array<i64: 1, 2048>}, {transform_indices = @transform_24, window_bounds = array<i64: 512, 2048>}]} {
    %lt3A = arith.constant 2 : i32
    %lt3A_0 = arith.cmpi slt, %arg0, %lt3A : i32
    %convert_element_type3A = arith.extui %lt3A_0 : i1 to i32
    %cond3A = arith.constant 0 : i32
    %cond3A_1 = arith.cmpi ne, %convert_element_type3A, %cond3A : i32
    scf.if %cond3A_1 {
      %get3A = arith.constant 0 : index
      %get3A_6 = arith.constant 0 : index
      %get3A_7 = vector.load %arg1[%get3A, %get3A_6] : memref<256x1024xf32, #tpu.memory_space<vmem>>, vector<256x1024xf32>
      %get3A_8 = arith.constant 0 : index
      %get3A_9 = arith.constant 0 : index
      %get3A_10 = vector.load %arg5[%get3A_8, %get3A_9] : memref<1024x512xf32, #tpu.memory_space<vmem>>, vector<1024x512xf32>
      %dot_general3A = arith.constant dense<0.000000e+00> : vector<256x512xf32>
      %dot_general3A_11 = tpu.matmul %get3A_7, %get3A_10, %dot_general3A {dimension_numbers = #tpu.dot_dimension_numbers<[1], [0], [0], [1], [0, 0, 1, 1], [], []>, transpose_lhs_hint = false} : vector<256x1024xf32>, vector<1024x512xf32>, vector<256x512xf32> -> vector<256x512xf32>
      %get3A_12 = arith.constant 0 : index
      %get3A_13 = arith.constant 0 : index
      %get3A_14 = vector.load %arg6[%get3A_12, %get3A_13] : memref<1x512xf32, #tpu.memory_space<vmem>>, vector<1x512xf32>
      %add3A = vector.broadcast %get3A_14 : vector<1x512xf32> to vector<256x512xf32>
      %add3A_15 = arith.addf %dot_general3A_11, %add3A : vector<256x512xf32>
      %integer_pow3A = arith.mulf %add3A_15, %add3A_15 : vector<256x512xf32>
      %integer_pow3A_16 = arith.mulf %add3A_15, %integer_pow3A : vector<256x512xf32>
      %mul3A = arith.constant 4.471500e-02 : f32
      %mul3A_17 = vector.broadcast %mul3A : f32 to vector<256x512xf32>
      %mul3A_18 = arith.mulf %mul3A_17, %integer_pow3A_16 : vector<256x512xf32>
      %add3A_19 = arith.addf %add3A_15, %mul3A_18 : vector<256x512xf32>
      %mul3A_20 = arith.constant 0.797884583 : f32
      %mul3A_21 = vector.broadcast %mul3A_20 : f32 to vector<256x512xf32>
      %mul3A_22 = arith.mulf %mul3A_21, %add3A_19 : vector<256x512xf32>
      %tanh3A = math.tanh %mul3A_22 : vector<256x512xf32>
      %add3A_23 = arith.constant 1.000000e+00 : f32
      %add3A_24 = vector.broadcast %add3A_23 : f32 to vector<256x512xf32>
      %add3A_25 = arith.addf %add3A_24, %tanh3A : vector<256x512xf32>
      %mul3A_26 = arith.constant 5.000000e-01 : f32
      %mul3A_27 = vector.broadcast %mul3A_26 : f32 to vector<256x512xf32>
      %mul3A_28 = arith.mulf %mul3A_27, %add3A_25 : vector<256x512xf32>
      %mul3A_29 = arith.mulf %add3A_15, %mul3A_28 : vector<256x512xf32>
      %get3A_30 = arith.constant 0 : index
      %get3A_31 = arith.constant 0 : index
      %get3A_32 = vector.load %arg7[%get3A_30, %get3A_31] : memref<512x512xf32, #tpu.memory_space<vmem>>, vector<512x512xf32>
      %dot_general3A_33 = arith.constant dense<0.000000e+00> : vector<256x512xf32>
      %dot_general3A_34 = tpu.matmul %mul3A_29, %get3A_32, %dot_general3A_33 {dimension_numbers = #tpu.dot_dimension_numbers<[1], [0], [0], [1], [0, 0, 1, 1], [], []>, transpose_lhs_hint = false} : vector<256x512xf32>, vector<512x512xf32>, vector<256x512xf32> -> vector<256x512xf32>
      %get3A_35 = arith.constant 0 : index
      %get3A_36 = arith.constant 0 : index
      %get3A_37 = vector.load %arg8[%get3A_35, %get3A_36] : memref<1x512xf32, #tpu.memory_space<vmem>>, vector<1x512xf32>
      %add3A_38 = vector.broadcast %get3A_37 : vector<1x512xf32> to vector<256x512xf32>
      %add3A_39 = arith.addf %dot_general3A_34, %add3A_38 : vector<256x512xf32>
      %get3A_40 = arith.constant 0 : index
      %get3A_41 = arith.constant 0 : index
      %get3A_42 = vector.load %arg2[%get3A_40, %get3A_41] : memref<512x256xf32, #tpu.memory_space<vmem>>, vector<512x256xf32>
      %get3A_43 = arith.constant 0 : index
      %get3A_44 = arith.constant 0 : index
      %get3A_45 = vector.load %arg9[%get3A_43, %get3A_44] : memref<256x128xf32, #tpu.memory_space<vmem>>, vector<256x128xf32>
      %dot_general3A_46 = arith.constant dense<0.000000e+00> : vector<512x128xf32>
      %dot_general3A_47 = tpu.matmul %get3A_42, %get3A_45, %dot_general3A_46 {dimension_numbers = #tpu.dot_dimension_numbers<[1], [0], [0], [1], [0, 0, 1, 1], [], []>, transpose_lhs_hint = false} : vector<512x256xf32>, vector<256x128xf32>, vector<512x128xf32> -> vector<512x128xf32>
      %get3A_48 = arith.constant 0 : index
      %get3A_49 = arith.constant 0 : index
      %get3A_50 = vector.load %arg10[%get3A_48, %get3A_49] : memref<1x128xf32, #tpu.memory_space<vmem>>, vector<1x128xf32>
      %add3A_51 = vector.broadcast %get3A_50 : vector<1x128xf32> to vector<512x128xf32>
      %add3A_52 = arith.addf %dot_general3A_47, %add3A_51 : vector<512x128xf32>
      %mul3A_53 = arith.constant 256 : i32
      %mul3A_54 = arith.muli %arg0, %mul3A_53 : i32
      %get3A_55 = arith.constant 0 : index
      %get3A_56 = arith.constant 0 : index
      %get3A_57 = vector.load %arg11[%get3A_55, %get3A_56] : memref<512x128xf32, #tpu.memory_space<vmem>>, vector<512x128xf32>
      %dot_general3A_58 = arith.constant dense<0.000000e+00> : vector<256x128xf32>
      %dot_general3A_59 = tpu.matmul %add3A_39, %get3A_57, %dot_general3A_58 {dimension_numbers = #tpu.dot_dimension_numbers<[1], [0], [0], [1], [0, 0, 1, 1], [], []>, transpose_lhs_hint = false} : vector<256x512xf32>, vector<512x128xf32>, vector<256x128xf32> -> vector<256x128xf32>
      %dot_general3A_60 = arith.constant dense<0.000000e+00> : vector<256x512xf32>
      %dot_general3A_61 = tpu.matmul %dot_general3A_59, %add3A_52, %dot_general3A_60 {dimension_numbers = #tpu.dot_dimension_numbers<[1], [1], [0], [0], [0, 0, 1, 0], [], []>, transpose_lhs_hint = false} : vector<256x128xf32>, vector<512x128xf32>, vector<256x512xf32> -> vector<256x512xf32>
      %swap3A = arith.index_cast %mul3A_54 : i32 to index
      %swap3A_62 = arith.constant 0 : index
      %swap3A_63 = vector.load %arg26[%swap3A, %swap3A_62] : memref<512x512xf32, #tpu.memory_space<vmem>>, vector<256x512xf32>
      tpu.vector_store %arg26[%swap3A, %swap3A_62], %dot_general3A_61 {strides = array<i32>} : memref<512x512xf32, #tpu.memory_space<vmem>>, vector<256x512xf32>,
      %get3A_64 = arith.constant 0 : index
      %get3A_65 = arith.constant 0 : index
      %get3A_66 = vector.load %arg3[%get3A_64, %get3A_65] : memref<512x256xf32, #tpu.memory_space<vmem>>, vector<256x256xf32>
      %get3A_67 = arith.constant 0 : index
      %get3A_68 = arith.constant 0 : index
      %get3A_69 = vector.load %arg9[%get3A_67, %get3A_68] : memref<256x128xf32, #tpu.memory_space<vmem>>, vector<256x128xf32>
      %dot_general3A_70 = arith.constant dense<0.000000e+00> : vector<256x128xf32>
      %dot_general3A_71 = tpu.matmul %get3A_66, %get3A_69, %dot_general3A_70 {dimension_numbers = #tpu.dot_dimension_numbers<[1], [0], [0], [1], [0, 0, 1, 1], [], []>, transpose_lhs_hint = false} : vector<256x256xf32>, vector<256x128xf32>, vector<256x128xf32> -> vector<256x128xf32>
      %get3A_72 = arith.constant 0 : index
      %get3A_73 = arith.constant 0 : index
      %get3A_74 = vector.load %arg10[%get3A_72, %get3A_73] : memref<1x128xf32, #tpu.memory_space<vmem>>, vector<1x128xf32>
      %add3A_75 = vector.broadcast %get3A_74 : vector<1x128xf32> to vector<256x128xf32>
      %add3A_76 = arith.addf %dot_general3A_71, %add3A_75 : vector<256x128xf32>
      %get3A_77 = arith.constant 256 : index
      %get3A_78 = arith.constant 0 : index
      %get3A_79 = vector.load %arg3[%get3A_77, %get3A_78] : memref<512x256xf32, #tpu.memory_space<vmem>>, vector<256x256xf32>
      %get3A_80 = arith.constant 0 : index
      %get3A_81 = arith.constant 0 : index
      %get3A_82 = vector.load %arg9[%get3A_80, %get3A_81] : memref<256x128xf32, #tpu.memory_space<vmem>>, vector<256x128xf32>
      %dot_general3A_83 = arith.constant dense<0.000000e+00> : vector<256x128xf32>
      %dot_general3A_84 = tpu.matmul %get3A_79, %get3A_82, %dot_general3A_83 {dimension_numbers = #tpu.dot_dimension_numbers<[1], [0], [0], [1], [0, 0, 1, 1], [], []>, transpose_lhs_hint = false} : vector<256x256xf32>, vector<256x128xf32>, vector<256x128xf32> -> vector<256x128xf32>
      %get3A_85 = arith.constant 0 : index
      %get3A_86 = arith.constant 0 : index
      %get3A_87 = vector.load %arg10[%get3A_85, %get3A_86] : memref<1x128xf32, #tpu.memory_space<vmem>>, vector<1x128xf32>
      %add3A_88 = vector.broadcast %get3A_87 : vector<1x128xf32> to vector<256x128xf32>
      %add3A_89 = arith.addf %dot_general3A_84, %add3A_88 : vector<256x128xf32>
      %add3A_90 = arith.addf %add3A_76, %add3A_89 : vector<256x128xf32>
      %sub3A = arith.subf %add3A_76, %add3A_89 : vector<256x128xf32>
      %abs3A = math.absf %sub3A : vector<256x128xf32>
      %mul3A_91 = arith.mulf %add3A_76, %add3A_89 : vector<256x128xf32>
      %get3A_92 = arith.constant 0 : index
      %get3A_93 = arith.constant 0 : index
      %get3A_94 = vector.load %arg12[%get3A_92, %get3A_93] : memref<512x96xf32, #tpu.memory_space<vmem>>, vector<512x96xf32>
      %dot_general3A_95 = arith.constant dense<0.000000e+00> : vector<256x96xf32>
      %dot_general3A_96 = tpu.matmul %add3A_39, %get3A_94, %dot_general3A_95 {dimension_numbers = #tpu.dot_dimension_numbers<[1], [0], [0], [1], [0, 0, 1, 1], [], []>, transpose_lhs_hint = false} : vector<256x512xf32>, vector<512x96xf32>, vector<256x96xf32> -> vector<256x96xf32>
      %get3A_97 = arith.constant 0 : index
      %get3A_98 = arith.constant 0 : index
      %get3A_99 = vector.load %arg17[%get3A_97, %get3A_98] : memref<1x96xf32, #tpu.memory_space<vmem>>, vector<1x96xf32>
      %add3A_100 = vector.broadcast %get3A_99 : vector<1x96xf32> to vector<256x96xf32>
      %add3A_101 = arith.addf %dot_general3A_96, %add3A_100 : vector<256x96xf32>
      %get3A_102 = arith.constant 0 : index
      %get3A_103 = arith.constant 0 : index
      %get3A_104 = vector.load %arg13[%get3A_102, %get3A_103] : memref<128x96xf32, #tpu.memory_space<vmem>>, vector<128x96xf32>
      %dot_general3A_105 = arith.constant dense<0.000000e+00> : vector<256x96xf32>
      %dot_general3A_106 = tpu.matmul %add3A_90, %get3A_104, %dot_general3A_105 {dimension_numbers = #tpu.dot_dimension_numbers<[1], [0], [0], [1], [0, 0, 1, 1], [], []>, transpose_lhs_hint = false} : vector<256x128xf32>, vector<128x96xf32>, vector<256x96xf32> -> vector<256x96xf32>
      %get3A_107 = arith.constant 0 : index
      %get3A_108 = arith.constant 0 : index
      %get3A_109 = vector.load %arg14[%get3A_107, %get3A_108] : memref<128x96xf32, #tpu.memory_space<vmem>>, vector<128x96xf32>
      %dot_general3A_110 = arith.constant dense<0.000000e+00> : vector<256x96xf32>
      %dot_general3A_111 = tpu.matmul %abs3A, %get3A_109, %dot_general3A_110 {dimension_numbers = #tpu.dot_dimension_numbers<[1], [0], [0], [1], [0, 0, 1, 1], [], []>, transpose_lhs_hint = false} : vector<256x128xf32>, vector<128x96xf32>, vector<256x96xf32> -> vector<256x96xf32>
      %add3A_112 = arith.addf %dot_general3A_106, %dot_general3A_111 : vector<256x96xf32>
      %get3A_113 = arith.constant 0 : index
      %get3A_114 = arith.constant 0 : index
      %get3A_115 = vector.load %arg15[%get3A_113, %get3A_114] : memref<128x96xf32, #tpu.memory_space<vmem>>, vector<128x96xf32>
      %dot_general3A_116 = arith.constant dense<0.000000e+00> : vector<256x96xf32>
      %dot_general3A_117 = tpu.matmul %mul3A_91, %get3A_115, %dot_general3A_116 {dimension_numbers = #tpu.dot_dimension_numbers<[1], [0], [0], [1], [0, 0, 1, 1], [], []>, transpose_lhs_hint = false} : vector<256x128xf32>, vector<128x96xf32>, vector<256x96xf32> -> vector<256x96xf32>
      %add3A_118 = arith.addf %add3A_112, %dot_general3A_117 : vector<256x96xf32>
      %get3A_119 = arith.constant 0 : index
      %get3A_120 = arith.constant 0 : index
      %get3A_121 = vector.load %arg4[%get3A_119, %get3A_120] : memref<256x9xf32, #tpu.memory_space<vmem>>, vector<256x9xf32>
      %get3A_122 = arith.constant 0 : index
      %get3A_123 = arith.constant 0 : index
      %get3A_124 = vector.load %arg16[%get3A_122, %get3A_123] : memref<9x96xf32, #tpu.memory_space<vmem>>, vector<9x96xf32>
      %dot_general3A_125 = arith.constant dense<0.000000e+00> : vector<256x96xf32>
      %dot_general3A_126 = tpu.matmul %get3A_121, %get3A_124, %dot_general3A_125 {dimension_numbers = #tpu.dot_dimension_numbers<[1], [0], [0], [1], [0, 0, 1, 1], [], []>, transpose_lhs_hint = false} : vector<256x9xf32>, vector<9x96xf32>, vector<256x96xf32> -> vector<256x96xf32>
      %add3A_127 = arith.addf %add3A_118, %dot_general3A_126 : vector<256x96xf32>
      %convert_element_type3A_128 = arith.truncf %add3A_101 : vector<256x96xf32> to vector<256x96xbf16>
      %convert_element_type3A_129 = arith.truncf %add3A_127 : vector<256x96xf32> to vector<256x96xbf16>
      %broadcast_in_dim3A = vector.shape_cast %convert_element_type3A_128 : vector<256x96xbf16> to vector<256x1x96xbf16>
      %broadcast_in_dim3A_130 = vector.shape_cast %convert_element_type3A_129 : vector<256x96xbf16> to vector<1x256x96xbf16>
      %add3A_131 = vector.broadcast %broadcast_in_dim3A : vector<256x1x96xbf16> to vector<256x256x96xbf16>
      %add3A_132 = vector.broadcast %broadcast_in_dim3A_130 : vector<1x256x96xbf16> to vector<256x256x96xbf16>
      %add3A_133 = arith.addf %add3A_131, %add3A_132 : vector<256x256x96xbf16>
      %mul3A_134 = arith.constant 5.000000e-01 : bf16
      %mul3A_135 = vector.broadcast %mul3A_134 : bf16 to vector<256x256x96xbf16>
      %mul3A_136 = arith.mulf %add3A_133, %mul3A_135 : vector<256x256x96xbf16>
      %mul3A_137 = arith.constant 7.070310e-01 : bf16
      %mul3A_138 = vector.broadcast %mul3A_137 : bf16 to vector<256x256x96xbf16>
      %mul3A_139 = arith.mulf %add3A_133, %mul3A_138 : vector<256x256x96xbf16>
      %erf3A = math.erf %mul3A_139 : vector<256x256x96xbf16>
      %mul3A_140 = arith.mulf %mul3A_136, %erf3A : vector<256x256x96xbf16>
      %add3A_141 = arith.addf %mul3A_140, %mul3A_136 : vector<256x256x96xbf16>
      %reshape3A = vector.shape_cast %add3A_141 : vector<256x256x96xbf16> to vector<65536x96xbf16>
      %get3A_142 = arith.constant 0 : index
      %get3A_143 = arith.constant 0 : index
      %get3A_144 = vector.load %arg18[%get3A_142, %get3A_143] : memref<96x96xf32, #tpu.memory_space<vmem>>, vector<96x96xf32>
      %convert_element_type3A_145 = arith.truncf %get3A_144 : vector<96x96xf32> to vector<96x96xbf16>
      %dot_general3A_146 = arith.constant dense<0.000000e+00> : vector<65536x96xf32>
      %dot_general3A_147 = tpu.matmul %reshape3A, %convert_element_type3A_145, %dot_general3A_146 {dimension_numbers = #tpu.dot_dimension_numbers<[1], [0], [0], [1], [0, 0, 1, 1], [], []>, transpose_lhs_hint = false} : vector<65536x96xbf16>, vector<96x96xbf16>, vector<65536x96xf32> -> vector<65536x96xf32>
      %get3A_148 = arith.constant 0 : index
      %get3A_149 = arith.constant 0 : index
      %get3A_150 = vector.load %arg19[%get3A_148, %get3A_149] : memref<1x96xf32, #tpu.memory_space<vmem>>, vector<1x96xf32>
      %add3A_151 = vector.broadcast %get3A_150 : vector<1x96xf32> to vector<65536x96xf32>
      %add3A_152 = arith.addf %dot_general3A_147, %add3A_151 : vector<65536x96xf32>
      %convert_element_type3A_153 = arith.truncf %add3A_152 : vector<65536x96xf32> to vector<65536x96xbf16>
      %mul3A_154 = arith.constant 5.000000e-01 : bf16
      %mul3A_155 = vector.broadcast %mul3A_154 : bf16 to vector<65536x96xbf16>
      %mul3A_156 = arith.mulf %convert_element_type3A_153, %mul3A_155 : vector<65536x96xbf16>
      %mul3A_157 = arith.constant 7.070310e-01 : bf16
      %mul3A_158 = vector.broadcast %mul3A_157 : bf16 to vector<65536x96xbf16>
      %mul3A_159 = arith.mulf %convert_element_type3A_153, %mul3A_158 : vector<65536x96xbf16>
      %erf3A_160 = math.erf %mul3A_159 : vector<65536x96xbf16>
      %mul3A_161 = arith.mulf %mul3A_156, %erf3A_160 : vector<65536x96xbf16>
      %add3A_162 = arith.addf %mul3A_161, %mul3A_156 : vector<65536x96xbf16>
      %get3A_163 = arith.constant 0 : index
      %get3A_164 = arith.constant 0 : index
      %get3A_165 = vector.load %arg20[%get3A_163, %get3A_164] : memref<96x1xf32, #tpu.memory_space<vmem>>, vector<96x1xf32>
      %convert_element_type3A_166 = arith.truncf %get3A_165 : vector<96x1xf32> to vector<96x1xbf16>
      %dot_general3A_167 = arith.constant dense<0.000000e+00> : vector<65536x1xf32>
      %dot_general3A_168 = tpu.matmul %add3A_162, %convert_element_type3A_166, %dot_general3A_167 {dimension_numbers = #tpu.dot_dimension_numbers<[1], [0], [0], [1], [0, 0, 1, 1], [], []>, transpose_lhs_hint = false} : vector<65536x96xbf16>, vector<96x1xbf16>, vector<65536x1xf32> -> vector<65536x1xf32>
      %get3A_169 = arith.constant 0 : index
      %get3A_170 = arith.constant 0 : index
      %get3A_171 = vector.load %arg21[%get3A_169, %get3A_170] : memref<1x1xf32, #tpu.memory_space<vmem>>, vector<1x1xf32>
      %add3A_172 = vector.broadcast %get3A_171 : vector<1x1xf32> to vector<65536x1xf32>
      %add3A_173 = arith.addf %dot_general3A_168, %add3A_172 : vector<65536x1xf32>
      %reshape3A_174 = vector.shape_cast %add3A_173 : vector<65536x1xf32> to vector<256x256xf32>
      %swap3A_175 = arith.index_cast %mul3A_54 : i32 to index
      %swap3A_176 = arith.constant 0 : index
      %swap3A_177 = vector.load %arg27[%swap3A_175, %swap3A_176] : memref<512x256xf32, #tpu.memory_space<vmem>>, vector<256x256xf32>
      tpu.vector_store %arg27[%swap3A_175, %swap3A_176], %reshape3A_174 {strides = array<i32>} : memref<512x256xf32, #tpu.memory_space<vmem>>, vector<256x256xf32>,
    } else {
    }
    %ge3A = arith.constant 2 : i32
    %ge3A_2 = arith.cmpi sge, %arg0, %ge3A : i32
    %convert_element_type3A_3 = arith.extui %ge3A_2 : i1 to i32
    %cond3A_4 = arith.constant 0 : i32
    %cond3A_5 = arith.cmpi ne, %convert_element_type3A_3, %cond3A_4 : i32
    scf.if %cond3A_5 {
      %get3A = arith.constant 0 : index
      %get3A_6 = arith.constant 0 : index
      %get3A_7 = vector.load %arg26[%get3A, %get3A_6] : memref<512x512xf32, #tpu.memory_space<vmem>>, vector<512x512xf32>
      %convert_element_type3A_8 = arith.truncf %get3A_7 : vector<512x512xf32> to vector<512x512xbf16>
      %get3A_9 = arith.constant 0 : index
      %get3A_10 = arith.constant 0 : index
      %get3A_11 = vector.load %arg22[%get3A_9, %get3A_10] : memref<2048x512xf32, #tpu.memory_space<vmem>>, vector<2048x512xf32>
      %convert_element_type3A_12 = arith.truncf %get3A_11 : vector<2048x512xf32> to vector<2048x512xbf16>
      %dot_general3A = arith.constant dense<0.000000e+00> : vector<512x2048xf32>
      %dot_general3A_13 = tpu.matmul %convert_element_type3A_8, %convert_element_type3A_12, %dot_general3A {dimension_numbers = #tpu.dot_dimension_numbers<[1], [1], [0], [0], [0, 0, 1, 0], [], []>, transpose_lhs_hint = false} : vector<512x512xbf16>, vector<2048x512xbf16>, vector<512x2048xf32> -> vector<512x2048xf32>
      %get3A_14 = arith.constant 0 : index
      %get3A_15 = arith.constant 0 : index
      %get3A_16 = vector.load %arg27[%get3A_14, %get3A_15] : memref<512x256xf32, #tpu.memory_space<vmem>>, vector<512x256xf32>
      %convert_element_type3A_17 = arith.truncf %get3A_16 : vector<512x256xf32> to vector<512x256xbf16>
      %get3A_18 = arith.constant 0 : index
      %get3A_19 = arith.constant 0 : index
      %get3A_20 = vector.load %arg23[%get3A_18, %get3A_19] : memref<2048x256xf32, #tpu.memory_space<vmem>>, vector<2048x256xf32>
      %convert_element_type3A_21 = arith.truncf %get3A_20 : vector<2048x256xf32> to vector<2048x256xbf16>
      %dot_general3A_22 = arith.constant dense<0.000000e+00> : vector<512x2048xf32>
      %dot_general3A_23 = tpu.matmul %convert_element_type3A_17, %convert_element_type3A_21, %dot_general3A_22 {dimension_numbers = #tpu.dot_dimension_numbers<[1], [1], [0], [0], [0, 0, 1, 0], [], []>, transpose_lhs_hint = false} : vector<512x256xbf16>, vector<2048x256xbf16>, vector<512x2048xf32> -> vector<512x2048xf32>
      %add3A = arith.addf %dot_general3A_13, %dot_general3A_23 : vector<512x2048xf32>
      %get3A_24 = arith.constant 0 : index
      %get3A_25 = arith.constant 0 : index
      %get3A_26 = vector.load %arg24[%get3A_24, %get3A_25] : memref<1x2048xf32, #tpu.memory_space<vmem>>, vector<1x2048xf32>
      %mul3A = arith.constant 1.000000e-01 : f32
      %mul3A_27 = vector.broadcast %mul3A : f32 to vector<1x2048xf32>
      %mul3A_28 = arith.mulf %mul3A_27, %get3A_26 : vector<1x2048xf32>
      %sub3A = vector.broadcast %mul3A_28 : vector<1x2048xf32> to vector<512x2048xf32>
      %sub3A_29 = arith.subf %add3A, %sub3A : vector<512x2048xf32>
      %swap3A = arith.constant 0 : index
      %swap3A_30 = arith.constant 0 : index
      %swap3A_31 = vector.load %arg25[%swap3A, %swap3A_30] : memref<512x2048xf32, #tpu.memory_space<vmem>>, vector<512x2048xf32>
      tpu.vector_store %arg25[%swap3A, %swap3A_30], %sub3A_29 {strides = array<i32>} : memref<512x2048xf32, #tpu.memory_space<vmem>>, vector<512x2048xf32>,
    } else {
    }
    return
  }
  func.func @transform_0(%arg0: i32) -> (i32, i32) {
    %min3A = arith.constant 1 : i32
    %min3A_0 = arith.minsi %arg0, %min3A : i32
    %c0_i32 = arith.constant 0 : i32
    %c0_i32_1 = arith.constant 0 : i32
    return %min3A_0, %c0_i32 : i32, i32
  }
  func.func @transform_1(%arg0: i32) -> (i32, i32) {
    %c0_i32 = arith.constant 0 : i32
    %c0_i32_0 = arith.constant 0 : i32
    %c0_i32_1 = arith.constant 0 : i32
    return %c0_i32, %c0_i32_0 : i32, i32
  }
  func.func @transform_2(%arg0: i32) -> (i32, i32) {
    %c0_i32 = arith.constant 0 : i32
    %c0_i32_0 = arith.constant 0 : i32
    %c0_i32_1 = arith.constant 0 : i32
    return %c0_i32, %c0_i32_0 : i32, i32
  }
  func.func @transform_3(%arg0: i32) -> (i32, i32) {
    %c0_i32 = arith.constant 0 : i32
    %c0_i32_0 = arith.constant 0 : i32
    %c0_i32_1 = arith.constant 0 : i32
    return %c0_i32, %c0_i32_0 : i32, i32
  }
  func.func @transform_4(%arg0: i32) -> (i32, i32) {
    %c0_i32 = arith.constant 0 : i32
    %c0_i32_0 = arith.constant 0 : i32
    %c0_i32_1 = arith.constant 0 : i32
    return %c0_i32, %c0_i32_0 : i32, i32
  }
  func.func @transform_5(%arg0: i32) -> (i32, i32) {
    %c0_i32 = arith.constant 0 : i32
    %c0_i32_0 = arith.constant 0 : i32
    %c0_i32_1 = arith.constant 0 : i32
    return %c0_i32, %c0_i32_0 : i32, i32
  }
  func.func @transform_6(%arg0: i32) -> (i32, i32) {
    %c0_i32 = arith.constant 0 : i32
    %c0_i32_0 = arith.constant 0 : i32
    %c0_i32_1 = arith.constant 0 : i32
    return %c0_i32, %c0_i32_0 : i32, i32
  }
  func.func @transform_7(%arg0: i32) -> (i32, i32) {
    %c0_i32 = arith.constant 0 : i32
    %c0_i32_0 = arith.constant 0 : i32
    %c0_i32_1 = arith.constant 0 : i32
    return %c0_i32, %c0_i32_0 : i32, i32
  }
  func.func @transform_8(%arg0: i32) -> (i32, i32) {
    %c0_i32 = arith.constant 0 : i32
    %c0_i32_0 = arith.constant 0 : i32
    %c0_i32_1 = arith.constant 0 : i32
    return %c0_i32, %c0_i32_0 : i32, i32
  }
  func.func @transform_9(%arg0: i32) -> (i32, i32) {
    %c0_i32 = arith.constant 0 : i32
    %c0_i32_0 = arith.constant 0 : i32
    %c0_i32_1 = arith.constant 0 : i32
    return %c0_i32, %c0_i32_0 : i32, i32
  }
  func.func @transform_10(%arg0: i32) -> (i32, i32) {
    %c0_i32 = arith.constant 0 : i32
    %c0_i32_0 = arith.constant 0 : i32
    %c0_i32_1 = arith.constant 0 : i32
    return %c0_i32, %c0_i32_0 : i32, i32
  }
  func.func @transform_11(%arg0: i32) -> (i32, i32) {
    %c0_i32 = arith.constant 0 : i32
    %c0_i32_0 = arith.constant 0 : i32
    %c0_i32_1 = arith.constant 0 : i32
    return %c0_i32, %c0_i32_0 : i32, i32
  }
  func.func @transform_12(%arg0: i32) -> (i32, i32) {
    %c0_i32 = arith.constant 0 : i32
    %c0_i32_0 = arith.constant 0 : i32
    %c0_i32_1 = arith.constant 0 : i32
    return %c0_i32, %c0_i32_0 : i32, i32
  }
  func.func @transform_13(%arg0: i32) -> (i32, i32) {
    %c0_i32 = arith.constant 0 : i32
    %c0_i32_0 = arith.constant 0 : i32
    %c0_i32_1 = arith.constant 0 : i32
    return %c0_i32, %c0_i32_0 : i32, i32
  }
  func.func @transform_14(%arg0: i32) -> (i32, i32) {
    %c0_i32 = arith.constant 0 : i32
    %c0_i32_0 = arith.constant 0 : i32
    %c0_i32_1 = arith.constant 0 : i32
    return %c0_i32, %c0_i32_0 : i32, i32
  }
  func.func @transform_15(%arg0: i32) -> (i32, i32) {
    %c0_i32 = arith.constant 0 : i32
    %c0_i32_0 = arith.constant 0 : i32
    %c0_i32_1 = arith.constant 0 : i32
    return %c0_i32, %c0_i32_0 : i32, i32
  }
  func.func @transform_16(%arg0: i32) -> (i32, i32) {
    %c0_i32 = arith.constant 0 : i32
    %c0_i32_0 = arith.constant 0 : i32
    %c0_i32_1 = arith.constant 0 : i32
    return %c0_i32, %c0_i32_0 : i32, i32
  }
  func.func @transform_17(%arg0: i32) -> (i32, i32) {
    %c0_i32 = arith.constant 0 : i32
    %c0_i32_0 = arith.constant 0 : i32
    %c0_i32_1 = arith.constant 0 : i32
    return %c0_i32, %c0_i32_0 : i32, i32
  }
  func.func @transform_18(%arg0: i32) -> (i32, i32) {
    %c0_i32 = arith.constant 0 : i32
    %c0_i32_0 = arith.constant 0 : i32
    %c0_i32_1 = arith.constant 0 : i32
    return %c0_i32, %c0_i32_0 : i32, i32
  }
  func.func @transform_19(%arg0: i32) -> (i32, i32) {
    %c0_i32 = arith.constant 0 : i32
    %c0_i32_0 = arith.constant 0 : i32
    %c0_i32_1 = arith.constant 0 : i32
    return %c0_i32, %c0_i32_0 : i32, i32
  }
  func.func @transform_20(%arg0: i32) -> (i32, i32) {
    %c0_i32 = arith.constant 0 : i32
    %c0_i32_0 = arith.constant 0 : i32
    %c0_i32_1 = arith.constant 0 : i32
    return %c0_i32, %c0_i32_0 : i32, i32
  }
  func.func @transform_21(%arg0: i32) -> (i32, i32) {
    %sub3A = arith.constant 2 : i32
    %sub3A_0 = arith.subi %arg0, %sub3A : i32
    %max3A = arith.constant 0 : i32
    %max3A_1 = arith.maxsi %sub3A_0, %max3A : i32
    %c0_i32 = arith.constant 0 : i32
    %c0_i32_2 = arith.constant 0 : i32
    return %max3A_1, %c0_i32 : i32, i32
  }
  func.func @transform_22(%arg0: i32) -> (i32, i32) {
    %sub3A = arith.constant 2 : i32
    %sub3A_0 = arith.subi %arg0, %sub3A : i32
    %max3A = arith.constant 0 : i32
    %max3A_1 = arith.maxsi %sub3A_0, %max3A : i32
    %c0_i32 = arith.constant 0 : i32
    %c0_i32_2 = arith.constant 0 : i32
    return %max3A_1, %c0_i32 : i32, i32
  }
  func.func @transform_23(%arg0: i32) -> (i32, i32) {
    %sub3A = arith.constant 2 : i32
    %sub3A_0 = arith.subi %arg0, %sub3A : i32
    %max3A = arith.constant 0 : i32
    %max3A_1 = arith.maxsi %sub3A_0, %max3A : i32
    %c0_i32 = arith.constant 0 : i32
    %c0_i32_2 = arith.constant 0 : i32
    return %c0_i32, %max3A_1 : i32, i32
  }
  func.func @transform_24(%arg0: i32) -> (i32, i32) {
    %sub3A = arith.constant 2 : i32
    %sub3A_0 = arith.subi %arg0, %sub3A : i32
    %max3A = arith.constant 0 : i32
    %max3A_1 = arith.maxsi %sub3A_0, %max3A : i32
    %c0_i32 = arith.constant 0 : i32
    %c0_i32_2 = arith.constant 0 : i32
    return %c0_i32, %max3A_1 : i32, i32
  }
}

</mosaic_0001>

<sc_bundles>
// kernel: kernel.4.cloned.1.call-start
scs
__scs_entry_jumppad:
0x0: {  	(pc) =	sbr.rel $0x88, $3  }
0x1: {  	(tag) =	ssettag $0x0;
	lr =	simm.s32 $0x1  }
0x2: {  	[smem:$0x3F8D] =	sst lr;
	_ =	strace $0xD0000000  }
0x3: {  	_ = 	snop  }
0x4: {  	_ = 	snop  }
0x5: {  	_ = 	snop  }
0x6: {  	_ = 	snop  }
0x7: {  	_ = 	snop  }
__scs_overlays_trampoline_lowered:
0x8: {  	[smem:$0x3F9C] =	sst s0  }
0x9: {  	[smem:$0x3F9D] =	sst s1  }
0xa: {  	[smem:$0x3F9E] =	sst s2  }
0xb: {  	[smem:$0x3F9F] =	sst s3  }
0xc: {  	[smem:$0x3FA0] =	sst s4  }
0xd: {  	[smem:$0x3FA1] =	sst s5  }
0xe: {  	[smem:$0x3FA2] =	sst s6  }
0xf: {  	[smem:$0x3FA3] =	sst s7  }
0x10: {  	[smem:$0x3FA4] =	sst s8  }
0x11: {  	[smem:$0x3FA5] =	sst s9;
	s0 =	simm.s32 @!p0 $0x0  }
0x12: {  	s1 =	sld [smem:$0x3F8B];
	s0 =	simm.s32 @p0 $0x1  }
0x13: {  	[smem:$0x3FA6] =	sst s0;
	s0 =	simm.s32 @!p1 $0x0  }
0x14: {  	s2 =	sld [smem:$0x3F8A];
	s0 =	simm.s32 @p1 $0x1  }
0x15: {  	[smem:$0x3FA7] =	sst s0;
	s0 =	simm.s32 @!p2 $0x0  }
0x16: {  	s3 =	sld [smem:$0x3FDB];
	s0 =	simm.s32 @p2 $0x1  }
0x17: {  	s4 =	simm.s32 $0x1BF5;
	[smem:$0x3FA9] =	sst s0  }
0x18: {  	s0 =	sld [smem:$0x3F8C];
	_ =	swait.ge [sflag:s4], $0x0  }
0x19: {  	s7 =	sld [smem:$0x3F8D]  }
0x1a: {  	s8 =	sadd.s32 $0xFFFFE003, lr  }
0x1b: {  	s9 =	sadd.s32 $0xFFFFFEF7, lr;
	s5 =	simm.s32 $0xFFFFFFFF;
	p2 =	slt.u32 s8, $0xFFFFF086  }
0x1c: {  	p1 =	slt.u32 s9, $0xF7A;
	s5 =	simm.s32 @!p2 $0x0  }
0x1d: {  	s5 =	simm.s32 @p1 $0x1;
	p0 =	seq.s32 s7, s2  }
0x1e: {  	s7 =	smul.u32 @!p0 $0xF7A, s2;
	p2 =	seq.s32 @!p0 s5, $0x0  }
0x1f: {  	s9 =	smul.u32 $0xF7A, s1;
	s8 =	simm.s32 @!p0 $0x1BF5;
	p2 =	por !p2, p0  }
0x20: {  	[sflag:s8] =	ssyncset.s32 @!p0 $0xFFFFF086;
	s6 =	sadd.s32 @!p0 s3, s7;
	s7 =	simm.s32 @!p0 $0x108  }
0x21: {  	s3 =	sadd.s32 s3, s9;
	s6 =	sadd.s32 @!p0 $0x88, s6;
	s7 =	simm.s32 @p2 $0x1082  }
0x22: {  	[simem:s7], [sflag:s8] =	dma.local @!p0 [hbm:s6], $0xF7A  }
0x23: {  	s9 =	sor.u32 $0xD0000000, s2;
	s6 =	simm.s32 $0x108;
	_ =	swait.ge @!p0 [sflag:s8], $0x0  }
0x24: {  	s3 =	sadd.s32 $0x88, s3;
	s6 =	simm.s32 @!p1 $0x1082;
	[sflag:s4] =	ssyncset.s32 $0xFFFFF086  }
0x25: {  	[simem:s6], [sflag:s4] =	dma.local [hbm:s3], $0xF7A  }
0x26: {  	[smem:$0x3F8D] =	sst s1;
	(tag) =	ssettag s2;
	_ =	strace s9  }
0x27: {  	s1 =	sld [smem:$0x3F9D]  }
0x28: {  	s2 =	sld [smem:$0x3F9E]  }
0x29: {  	s4 =	sld [smem:$0x3FA0]  }
0x2a: {  	p0 =	seq.s32 s5, $0x0;
	s5 =	sld [smem:$0x3FA1]  }
0x2b: {  	s6 =	sld [smem:$0x3FA2]  }
0x2c: {  	s7 =	sld [smem:$0x3FA3]  }
0x2d: {  	s3 =	simm.s32 $0x108;
	s8 =	sld [smem:$0x3FA4]  }
0x2e: {  	s3 =	simm.s32 @!p0 $0x1082;
	s9 =	sld [smem:$0x3FA5]  }
0x2f: {  	lr =	sadd.s32 s0, s3;
	s0 =	sld [smem:$0x3F9C]  }
0x30: {  	s3 =	sld [smem:$0x3F9F]  }
0x31: {  	[smem:$0x3FA8] =	sst s10  }
0x32: {  	s10 =	sld [smem:$0x3FA6];
	_ =	sdelay $0x3  }
0x33: {  	p0 =	seq.s32 s10, $0x1;
	s10 =	sld [smem:$0x3FA8];
	_ =	sdelay $0x3  }
0x34: {  	[smem:$0x3FA8] =	sst s10  }
0x35: {  	s10 =	sld [smem:$0x3FA7];
	_ =	sdelay $0x3  }
0x36: {  	p1 =	seq.s32 s10, $0x1;
	s10 =	sld [smem:$0x3FA8];
	_ =	sdelay $0x3  }
0x37: {  	[smem:$0x3FA8] =	sst s10  }
0x38: {  	s10 =	sld [smem:$0x3FA9]  }
0x39: {  	_ = 	snop;
	(pc) =	sbr.ind lr, $3  }
0x3a: {  	_ = 	snop  }
0x3b: {  	_ = 	snop  }
0x3c: {  	p2 =	seq.s32 s10, $0x1;
	s10 =	sld [smem:$0x3FA8]  }
0x3d: {  	_ =	shalt  }
0x3e: {  	_ =	shalt  }
0x3f: {  	_ =	shalt  }
0x40: {  	_ =	shalt  }
0x41: {  	_ =	shalt  }
0x42: {  	_ =	shalt  }
0x43: {  	_ =	shalt  }
0x44: {  	_ =	shalt  }
0x45: {  	_ =	shalt  }
0x46: {  	_ =	shalt  }
0x47: {  	_ =	shalt  }
0x48: {  	_ =	shalt  }
0x49: {  	_ =	shalt  }
0x4a: {  	_ =	shalt  }
0x4b: {  	_ =	shalt  }
0x4c: {  	_ =	shalt  }
0x4d: {  	_ =	shalt  }
0x4e: {  	_ =	shalt  }
0x4f: {  	_ =	shalt  }
0x50: {  	_ =	shalt  }
0x51: {  	_ =	shalt  }
0x52: {  	_ =	shalt  }
0x53: {  	_ =	shalt  }
0x54: {  	_ =	shalt  }
0x55: {  	_ =	shalt  }
0x56: {  	_ =	shalt  }
0x57: {  	_ =	shalt  }
0x58: {  	_ =	shalt  }
0x59: {  	_ =	shalt  }
0x5a: {  	_ =	shalt  }
0x5b: {  	_ =	shalt  }
0x5c: {  	_ =	shalt  }
0x5d: {  	_ =	shalt  }
0x5e: {  	_ =	shalt  }
0x5f: {  	_ =	shalt  }
0x60: {  	_ =	shalt  }
0x61: {  	_ =	shalt  }
0x62: {  	_ =	shalt  }
0x63: {  	_ =	shalt  }
0x64: {  	_ =	shalt  }
0x65: {  	_ =	shalt  }
0x66: {  	_ =	shalt  }
0x67: {  	_ =	shalt  }
0x68: {  	_ =	shalt  }
0x69: {  	_ =	shalt  }
0x6a: {  	_ =	shalt  }
0x6b: {  	_ =	shalt  }
0x6c: {  	_ =	shalt  }
0x6d: {  	_ =	shalt  }
0x6e: {  	_ =	shalt  }
0x6f: {  	_ =	shalt  }
0x70: {  	_ =	shalt  }
0x71: {  	_ =	shalt  }
0x72: {  	_ =	shalt  }
0x73: {  	_ =	shalt  }
0x74: {  	_ =	shalt  }
0x75: {  	_ =	shalt  }
0x76: {  	_ =	shalt  }
0x77: {  	_ =	shalt  }
0x78: {  	_ =	shalt  }
0x79: {  	_ =	shalt  }
0x7a: {  	_ =	shalt  }
0x7b: {  	_ =	shalt  }
0x7c: {  	_ =	shalt  }
0x7d: {  	_ =	shalt  }
0x7e: {  	_ =	shalt  }
0x7f: {  	_ =	shalt  }
0x80: {  	_ =	shalt  }
0x81: {  	_ =	shalt  }
0x82: {  	_ =	shalt  }
0x83: {  	_ =	shalt  }
0x84: {  	_ =	shalt  }
0x85: {  	_ =	shalt  }
0x86: {  	_ =	shalt  }
0x87: {  	_ =	shalt  }
.Lfunc_end0:
.L_simem_size_0:
called_computation_lowered:
.L_overlay_start_0:
0x88: {  	s2 =	sld [smem:$0x3FD9]  }
0x89: {  	s3 =	sld [smem:$0x3FFE];
	_ =	sdelay $0x1  }
0x8a: {  	s1 =	srdreg.scid  }
0x8b: {  	s0 =	sand.u32 $0x1, s1  }
0x8c: {  	s17 =	sshll.u32 s0, $0xA;
	s2 =	sadd.s32 s3, s2  }
0x8d: {  	s2 =	sadd.s32 s2, s17  }
0x8e: {  	[smem:$0x3FB4] =	sst s2  }
0x8f: {  	_ = 	snop  }
0x90: {  	s2 =	sld [smem:$0x3FC8]  }
0x91: {  	s18 =	sld [smem:$0x3FD0];
	(tm) =	ssettm $0x1  }
0x92: {  	s4 =	sld [smem:$0x3FFB];
	_ =	sdelay $0x3  }
0x93: {  	_ =	strace s4  }
0x94: {  	s4 =	sld [smem:$0x3FFC];
	_ =	sdelay $0x3  }
0x95: {  	_ =	strace s4  }
0x96: {  	s4 =	sld [smem:$0x3FFD];
	_ =	sdelay $0x3  }
0x97: {  	_ =	strace s4  }
0x98: {  	_ =	strace $0x8FFFFFFF  }
0x99: {  	s19 =	sld [smem:$0x3FDB];
	_ =	sdelay $0x1  }
0x9a: {  	s5 =	simm.s32 $_scs_section_size  }
0x9b: {  	s6 =	simm.s32 $_size__tile_overlayer_lowered;
	s7 =	simm.s32 $_tile_overlayer_lowered  }
0x9c: {  	s22 =	simm.s32 $0x1BFF;
	s21 =	sshll.u32 s7, $0x1;
	s4 =	sadd.s32 s5, s19  }
0x9d: {  	s8 =	simm.s32 $0x0;
	s20 =	sshll.u32 s6, $0x1;
	s6 =	sadd.s32 s21, s4  }
0x9e: {  	[timem:s8], [sflag:s22] =	dma.local [hbm:s6], s20  }
0x9f: {  	_ =	swait.ge [sflag:s22], s20  }
0xa0: {  	s5 =	ssub.s32 $0x0, s20;
	[sflag:s22] =	ssyncset.done $0x0  }
0xa1: {  	[sflag:s22] =	ssyncadd.s32 s5;
	_ =	sdelay $0x1  }
0xa2: {  	s23 =	simm.s32 $0x1B8B  }
0xa3: {  	_ =	swait.ge [sflag:s23], $0x1  }
0xa4: {  	[sflag:s23] =	ssyncset.done $0x0  }
0xa5: {  	s25 =	simm.s32 $0x1B8E;
	s24 =	sld [smem:$0x3FFE];
	[sflag:s23] =	ssyncadd.s32 $0xFFFFFFFF  }
0xa6: {  	s26 =	simm.s32 $execute0_lowered;
	[smem:$0x3FD2] =	sst s25  }
0xa7: {  	s6 =	sshll.u32 s26, $0x1;
	_ =	strace $0x80000046;
	[dreg:$0x1] =	wrdreg $0xFFFFFFFF  }
0xa8: {  	s28 =	simm.s32 $_size_execute0_lowered;
	s4 =	sadd.s32 s4, s6;
	[dreg:$0x0] =	wrdreg $0x0  }
0xa9: {  	s6 =	sshll.u32 s28, $0x1;
	[dreg:$0x2] =	wrdreg s4  }
0xaa: {  	[dreg:$0x3] =	wrdreg s6  }
0xab: {  	[dreg:$0x4] =	wrdreg $0xC0  }
0xac: {  	_ =	task [dreg:s8], $0x5FFFF  }
0xad: {  	[dreg:$0x1] =	wrdreg $0xFFFFFFFF  }
0xae: {  	[dreg:$0x0] =	wrdreg $0x60  }
0xaf: {  	[dreg:$0x2] =	wrdreg s2  }
0xb0: {  	[dreg:$0x3] =	wrdreg s24  }
0xb1: {  	[dreg:$0x4] =	wrdreg s18  }
0xb2: {  	[dreg:$0x5] =	wrdreg $0x9  }
0xb3: {  	_ =	task.clear_ibuf [dreg:s8], $0x6FFFF;
	_ =	strace $0x90000046  }
0xb4: {  	s29 =	simm.s32 $0x9;
	_ =	strace $0x80000048  }
0xb5: {  	_ =	swait.ge [sflag:s29], $0x1  }
0xb6: {  	[sflag:s29] =	ssyncadd.s32 $0xFFFFFFFF  }
0xb7: {  	_ =	strace $0x90000048  }
0xb8: {  	_ =	sfence  }
0xb9: {  	s30 =	sld [smem:$0x0];
	_ =	sdelay $0x2  }
0xba: {  	s31 =	sshll.u32 s1, $0xD;
	s1 =	sshrl.u32 s1, $0x2  }
0xbb: {  	s3 =	sand.u32 $0x4000, s31;
	s1 =	sadd.s32 s1, s30  }
0xbc: {  	s0 =	sor.u32 s3, s0;
	s1 =	sshll.u32 s1, $0x11  }
0xbd: {  	s0 =	sor.u32 s1, s0  }
0xbe: {  	s0 =	sadd.s32 $0x8F2B, s0  }
0xbf: {  	[sflag:s0] =	ssyncadd.remote.s32 $0x1  }
0xc0: {  	_ =	sfence.sel $0xFFFF  }
0xc1: {  	[dreg:$0x0] =	wrdreg $0xFFFFFFFF;
	(pc) =	sbr.abs _section_cstart, $3  }
0xc2: {  	[dreg:$0x1] =	wrdreg $0xFFFFFFFF  }
0xc3: {  	_ =	task.clear_ibuf [dreg:s8], $0x2FFFF;
	_ =	strace $0x9FFFFFFF  }
0xc4: {  	(tm) =	ssettm $0x7FFFFFFF  }
0xc5: {  	_ =	shalt  }
tec
execute0_lowered:
.L_overlay_start_1:
0x0: {  	(tag) =	ssettag $0x1  }
0x1: {  	s2 =	srdreg.scid  }
0x2: {  	s1 =	rddreg [dreg:$0x0];
	s0 =	stileid.u32;
	s7 =	sand.u32 $0x1, s2  }
0x3: {  	s4 =	rddreg [dreg:$0x1];
	s30 =	sshll.u32 s0, $0x5;
	s3 =	sshll.u32 s7, $0x4  }
0x4: {  	s9 =	rddreg [dreg:$0x2];
	s10 =	sor.u32 s3, s30  }
0x5: {  	s2 =	rddreg [dreg:$0x3];
	s3 =	simm.s32 $0x0;
	s5 =	sshrl.u32 s10, $0x3  }
0x6: {  	[smem:$0x7FF] =	sst s3;
	s4 =	sadd.s32 s5, s4  }
0x7: {  	_ =	strace $0x80000047;
	s5 =	sadd.s32 $0x2600, s4;
	s4 =	simm.s32 $0x2  }
0x8: {  	[tilespmem:s3], [sflag:$0x2] =	stream.linear.gather [hbm4b:s5+s3], $0x10, $0x38;
	[tilespmem:$0x1080] =	vst v63  }
0x9: {  	_ =	swait.ge [sflag:s4], $0x10  }
0xa: {  	[sflag:s4] =	ssyncset.done $0x0  }
0xb: {  	[sflag:s4] =	ssyncadd.s32 $0xFFFFFFF0  }
0xc: {  	v0 =	vld [tilespmem:$0x0];
	_ =	sdelay $0x4  }
0xd: {  	v1 =	vshll.u32 v0, $0x1  }
0xe: {  	v2 =	vlaneseq.u32;
	v3 =	vand.u32 $0x7, v0;
	v1 =	vand.u32 $0xFFFFFFF0, v1  }
0xf: {  	v4 =	vshrl.u32 v2, $0x3;
	v0 =	vand.u32 $0x7, v2;
	v3 =	vor.u32 v3, v1  }
0x10: {  	v1 =	vmul.u32 $0x8, v4;
	v63 =	vperm.xlane v3, v0  }
0x11: {  	v2 =	vor.u32 $0x8, v2  }
0x12: {  	v3 =	vperm.xlane v3, v2;
	v4 =	vadd.s32 v1, v63;
	_ =	sdelay $0x1  }
0x13: {  	s11 =	ssub.s32 $0x2, s7;
	v3 =	vadd.s32 v1, v3  }
0x14: {  	s12 =	sshrl.u32 s11, $0x1  }
0x15: {  	vm0 =	vmmov $0xffff;
	s6 =	simm.s32 $0x80;
	s11 =	ssub.s32 s11, s12  }
0x16: {  	[tilespmem:s6], [sflag:$0x1] =	stream.indirect_vreg.gather [hbm4b:s1+s3], $0x80, v4, vm0, $0xb8;
	[tilespmem:$0x1080] =	vst v63  }
0x17: {  	s8 =	simm.s32 $0x1;
	s7 =	simm.s32 $0x880;
	s31 =	smax.u32 s11, $0x1  }
0x18: {  	[tilespmem:s7], [sflag:$0x1] =	stream.indirect_vreg.gather [hbm4b:s1+s3], $0x80, v3, vm0, $0xb8;
	[tilespmem:$0x1080] =	vst v63  }
0x19: {  	p0 =	sne.s32 s31, $0x1;
	_ =	swait.ge [sflag:s8], $0x1000  }
.Ltmp0:
0x1a: {  	s10 =	sshll.u32 s10, $0x5;
	[sflag:s8] =	ssyncset.done $0x0;
	(pc) =	sbr.rel @!p0 .LBB2_2-.Ltmp0, $4  }
0x1b: {  	s9 =	sadd.s32 s9, s10;
	[sflag:s8] =	ssyncadd.s32 $0xFFFFF000  }
0x1c: {  	[hbm4b:s9+s3] =	stream.linear.scatter [tilespmem:s6], [sflag:$0x2], $0x1000, $0x38;
	[tilespmem:$0x1080] =	vst v63  }
0x1d: {  	_ =	swait.ge [sflag:s4], $0x1000  }
0x1e: {  	s10 =	sadd.s32 $0xFFFFFFFF, s31;
	[sflag:s4] =	ssyncset.done $0x0  }
.LBB2_1:
0x1f: {  	p0 =	sne.s32 s10, $0x1;
	s10 =	sadd.s32 $0xFFFFFFFF, s10;
	[sflag:s4] =	ssyncadd.s32 $0xFFFFF000  }
0x20: {  	[tilespmem:s3], [sflag:$0x2] =	stream.linear.gather [hbm4b:s5+s3], $0x10, $0x38;
	[tilespmem:$0x1080] =	vst v63  }
0x21: {  	_ =	swait.ge [sflag:s4], $0x10  }
0x22: {  	[sflag:s4] =	ssyncset.done $0x0  }
0x23: {  	[sflag:s4] =	ssyncadd.s32 $0xFFFFFFF0  }
0x24: {  	v3 =	vld [tilespmem:$0x0];
	_ =	sdelay $0x4  }
0x25: {  	v4 =	vshll.u32 v3, $0x1  }
0x26: {  	v3 =	vand.u32 $0x7, v3;
	v4 =	vand.u32 $0xFFFFFFF0, v4  }
0x27: {  	v3 =	vor.u32 v3, v4  }
0x28: {  	v4 =	vperm.xlane v3, v0;
	v3 =	vperm.xlane v3, v2;
	_ =	sdelay $0x1  }
0x29: {  	v4 =	vadd.s32 v1, v4;
	_ =	sdelay $0x1  }
0x2a: {  	v3 =	vadd.s32 v1, v3;
	_ =	sdelay $0x2  }
0x2b: {  	[tilespmem:s6], [sflag:$0x1] =	stream.indirect_vreg.gather [hbm4b:s1+s3], $0x80, v4, vm0, $0xb8;
	[tilespmem:$0x1080] =	vst v63  }
0x2c: {  	_ = 	snop  }
0x2d: {  	[tilespmem:s7], [sflag:$0x1] =	stream.indirect_vreg.gather [hbm4b:s1+s3], $0x80, v3, vm0, $0xb8;
	[tilespmem:$0x1080] =	vst v63  }
0x2e: {  	_ =	swait.ge [sflag:s8], $0x1000  }
.Ltmp1:
0x2f: {  	[sflag:s8] =	ssyncset.done $0x0;
	(pc) =	sbr.rel @p0 .LBB2_1-.Ltmp1, $4  }
0x30: {  	[sflag:s8] =	ssyncadd.s32 $0xFFFFF000  }
0x31: {  	[hbm4b:s9+s3] =	stream.linear.scatter [tilespmem:s6], [sflag:$0x2], $0x1000, $0x38;
	[tilespmem:$0x1080] =	vst v63  }
0x32: {  	_ =	swait.ge [sflag:s4], $0x1000  }
0x33: {  	[sflag:s4] =	ssyncset.done $0x0  }
.LBB2_2:
0x34: {  	[sflag:s4] =	ssyncadd.s32 $0xFFFFF000  }
0x35: {  	_ =	sfence.sel $0x180000  }
0x36: {  	[bflag:$0x0] =	sbarrier.arrive $0xFFFF  }
0x37: {  	p0 =	sne.s32 s0, $0x0;
	_ =	strace $0x90000047  }
0x38: {  	s0 =	sadd.s32 @!p0 $0x100000, s2;
	[bflag:$0x2] =	sbarrier.arrive $0xFFFF  }
0x39: {  	[sflag:s0] =	ssyncadd.tile.s32 @!p0 $0x1;
	_ =	shalt  }
.Lfunc_end2:
_tile_overlayer_lowered:
.L_overlay_start_2:
0x3a: {  	(tag) =	ssettag $0x2  }
0x3b: {  	s0 =	rddreg [dreg:$0x0];
	s2 =	stileid.u32  }
0x3c: {  	s1 =	rddreg [dreg:$0x1];
	p0 =	sne.s32 s2, $0x0  }
0x3d: {  	s3 =	rddreg [dreg:$0x2];
	[bflag:$0x3] =	sbarrier.arrive $0xFFFF;
	s2 =	simm.s32 @!p0 $0x1C02  }
0x3e: {  	[timem:s3], [sflag:s2] =	dma.local @!p0 [hbm:s0], s1  }
0x3f: {  	s0 =	simm.s32 @!p0 $0x2  }
0x40: {  	_ =	swait.ge @!p0 [sflag:s0], s1  }
0x41: {  	s1 =	ssub.s32 @!p0 $0x0, s1;
	[sflag:s0] =	ssyncset.done @!p0 $0x0  }
0x42: {  	[sflag:s0] =	ssyncadd.s32 @!p0 s1  }
0x43: {  	[bflag:$0x3] =	sbarrier.arrive $0xFFFF  }
0x44: {  	_ =	shalt  }

</sc_bundles>
